<compile_context>
chip_gen: v7x
topology: tpu7x:2x2x1
jax: 0.10.2.dev20260603
libtpu: 0.0.44.dev20260713+nightly
codegen_flags: <defaults>
</compile_context>

<pallas_src>
import jax
import jax.numpy as jnp
from jax import lax
from jax.experimental import pallas as pl
from jax.experimental.pallas import tpu as pltpu
from jax.experimental.pallas import tpu_sc as plsc

_DIM = 128
_MAX_LEN = 200
_LANES = 16
_ROWS_PER_W = 8
_NW_FULL = 12


def _gather_body(slen_hbm, emb_hbm, out_hbm, slen_v, idx_v, rows_v, sem):
    wid = lax.axis_index("s")

    @pl.when(wid <= _NW_FULL)
    def _():
        base = pl.multiple_of(wid * _LANES, _ROWS_PER_W)
        pltpu.sync_copy(slen_hbm, slen_v)
        lane = lax.iota(jnp.int32, _LANES)
        idx_v[...] = jnp.minimum(jnp.minimum(base + lane, slen_v[...] - 1),
                                 _MAX_LEN - 1)
        pltpu.async_copy(emb_hbm.at[idx_v], rows_v, sem).wait()

        @pl.when(wid < _NW_FULL)
        def _():
            pltpu.sync_copy(rows_v, out_hbm.at[pl.ds(base, _LANES)])

        @pl.when(wid == _NW_FULL)
        def _():
            pltpu.sync_copy(rows_v.at[pl.ds(0, _ROWS_PER_W)],
                            out_hbm.at[pl.ds(base, _ROWS_PER_W)])


@jax.jit
def _gather(slen_vec, emb):
    mesh = plsc.VectorSubcoreMesh(core_axis_name="c", subcore_axis_name="s",
                                  num_cores=1, num_subcores=13)
    return pl.kernel(
        _gather_body,
        mesh=mesh,
        out_type=jax.ShapeDtypeStruct((_MAX_LEN, _DIM), jnp.float32),
        scratch_types=[
            pltpu.VMEM((_LANES,), jnp.int32),
            pltpu.VMEM((_LANES,), jnp.int32),
            pltpu.VMEM((_LANES, _DIM), jnp.float32),
            pltpu.SemaphoreType.DMA,
        ],
    )(slen_vec, emb)


def kernel(seq_len, emb):
    slen_vec = jnp.full((_LANES,), seq_len, dtype=jnp.int32)
    return _gather(slen_vec, emb)

# --- scband reference (transcript-rebuilt; emitter-appended) ---
"""Pipeline reference for scband-temporal-position-encoding-23373212025455 (READ-ONLY COPY).

The authoritative reference and input builder live on the scoring server;
editing this copy changes nothing except your own understanding.
"""

import jax, jax.numpy as jnp
import numpy as np

DIM = 128
MAX_LEN = 200

def setup_inputs(seed: int = 0) -> dict:
    key = jax.random.key(seed)
    k_emb, = jax.random.split(key, 1)
    emb = jax.random.normal(k_emb, (MAX_LEN, DIM), dtype=jnp.float32)
    return {"seq_len": 200, "emb": emb}

def reference(seq_len, emb):
    ids = jnp.arange(emb.shape[0])
    ids = jnp.minimum(ids, seq_len - 1)
    return jnp.take(emb, ids, axis=0)

if __name__ == "__main__":
    import jax
    _d = setup_inputs()
    print(jax.jit(kernel)(*tuple(_d.values())))

</pallas_src>

<mosaic_0001>
#map = affine_map<(d0, d1) -> (0)>
#map1 = affine_map<(d0, d1) -> (0, 0)>
module attributes {stable_mosaic.version = 14 : i64} {
  func.func @_gather_body(%arg0: i32, %arg1: i32, %arg2: memref<16xi32, #tpu.memory_space<hbm>>, %arg3: memref<200x128xf32, #tpu.memory_space<hbm>>, %arg4: memref<200x128xf32, #tpu.memory_space<hbm>>, %arg5: memref<16xi32, #tpu.memory_space<vmem>>, %arg6: memref<16xi32, #tpu.memory_space<vmem>>, %arg7: memref<16x128xf32, #tpu.memory_space<vmem>>, %arg8: memref<!tpu.dma_semaphore, #tpu.memory_space<semaphore_mem>>) attributes {dimension_semantics = [#tpu.dimension_semantics<core_parallel>, #tpu.dimension_semantics<subcore_parallel>], iteration_bounds = array<i64: 1, 13>, scalar_prefetch = 0 : i64, scratch_operands = 4 : i64, tpu.core_type = #tpu.core_type<sc_vector_subcore>, window_params = [{transform_indices = #map}, {transform_indices = #map1}, {transform_indices = #map1}]} {
    %le3A = arith.constant 12 : i32
    %le3A_0 = arith.cmpi sle, %arg1, %le3A : i32
    %convert_element_type3A = arith.extui %le3A_0 : i1 to i32
    %cond3A = arith.constant 0 : i32
    %cond3A_1 = arith.cmpi ne, %convert_element_type3A, %cond3A : i32
    scf.if %cond3A_1 {
      %mul3A = arith.constant 16 : i32
      %mul3A_2 = arith.muli %arg1, %mul3A : i32
      %multiple_of3A = tpu.assume_multiple %mul3A_2, 8 : i32
      "tpu.region"() ({
        %run_scoped3A = tpu.sem_alloc : memref<!tpu.dma_semaphore, #tpu.memory_space<semaphore_mem>>
        tpu.enqueue_dma source(%arg2 : memref<16xi32, #tpu.memory_space<hbm>>) target(%arg5 : memref<16xi32, #tpu.memory_space<vmem>>) target_semaphore(%run_scoped3A : memref<!tpu.dma_semaphore, #tpu.memory_space<semaphore_mem>>)
        tpu.wait_dma2 semaphore(%run_scoped3A : memref<!tpu.dma_semaphore, #tpu.memory_space<semaphore_mem>>) src(%arg2 : memref<16xi32, #tpu.memory_space<hbm>>) dst(%arg5 : memref<16xi32, #tpu.memory_space<vmem>>)
        tpu.yield
      }) : () -> ()
      %iota3A = tpu.iota {dimensions = array<i32: 0>} : vector<16xi32>
      %add3A = vector.broadcast %multiple_of3A : i32 to vector<16xi32>
      %add3A_3 = arith.addi %add3A, %iota3A : vector<16xi32>
      %get3A = arith.constant 0 : index
      %get3A_4 = tpu.vector_load %arg5[%get3A] {strides = array<i32>} : memref<16xi32, #tpu.memory_space<vmem>>, vector<16xi32>,
      %get3A_5 = vector.shape_cast %get3A_4 : vector<16xi32> to vector<16xi32>
      %sub3A = arith.constant 1 : i32
      %sub3A_6 = vector.broadcast %sub3A : i32 to vector<16xi32>
      %sub3A_7 = arith.subi %get3A_5, %sub3A_6 : vector<16xi32>
      %min3A = arith.minsi %add3A_3, %sub3A_7 : vector<16xi32>
      %min3A_8 = arith.constant 199 : i32
      %min3A_9 = vector.broadcast %min3A_8 : i32 to vector<16xi32>
      %min3A_10 = arith.minsi %min3A, %min3A_9 : vector<16xi32>
      %swap3A = arith.constant 0 : index
      %swap3A_11 = tpu.vector_load %arg6[%swap3A] {strides = array<i32>} : memref<16xi32, #tpu.memory_space<vmem>>, vector<16xi32>,
      %swap3A_12 = vector.shape_cast %swap3A_11 : vector<16xi32> to vector<16xi32>
      %swap3A_13 = vector.shape_cast %min3A_10 : vector<16xi32> to vector<16xi32>
      tpu.vector_store %arg6[%swap3A], %swap3A_13 {strides = array<i32>} : memref<16xi32, #tpu.memory_space<vmem>>, vector<16xi32>,
      %dma_start3A = arith.constant 0 : i32
      %dma_start3A_14 = arith.constant 0 : i32
      %dma_start3A_15 = tpu.memref_slice %arg3[%dma_start3A, %dma_start3A_14] : memref<200x128xf32, #tpu.memory_space<hbm>> -> memref<200x128xf32, #tpu.memory_space<hbm>>
      tpu.enqueue_indirect_dma source(%dma_start3A_15 : memref<200x128xf32, #tpu.memory_space<hbm>>) target(%arg7 : memref<16x128xf32, #tpu.memory_space<vmem>>) offsets(%arg6 : memref<16xi32, #tpu.memory_space<vmem>>) semaphore(%arg8 : memref<!tpu.dma_semaphore, #tpu.memory_space<semaphore_mem>>)
      %dma_wait3A = arith.constant 0 : i32
      %dma_wait3A_16 = arith.constant 0 : i32
      %dma_wait3A_17 = tpu.memref_slice %arg3[%dma_wait3A, %dma_wait3A_16] : memref<200x128xf32, #tpu.memory_space<hbm>> -> memref<200x128xf32, #tpu.memory_space<hbm>>
      tpu.wait_indirect_dma semaphore(%arg8 : memref<!tpu.dma_semaphore, #tpu.memory_space<semaphore_mem>>) src(%dma_wait3A_17 : memref<200x128xf32, #tpu.memory_space<hbm>>) dst(%arg7 : memref<16x128xf32, #tpu.memory_space<vmem>>)
      %lt3A = arith.constant 12 : i32
      %lt3A_18 = arith.cmpi slt, %arg1, %lt3A : i32
      %convert_element_type3A_19 = arith.extui %lt3A_18 : i1 to i32
      %cond3A_20 = arith.constant 0 : i32
      %cond3A_21 = arith.cmpi ne, %convert_element_type3A_19, %cond3A_20 : i32
      scf.if %cond3A_21 {
        "tpu.region"() ({
          %run_scoped3A = tpu.sem_alloc : memref<!tpu.dma_semaphore, #tpu.memory_space<semaphore_mem>>
          %dma_start3A_26 = arith.constant 0 : i32
          %dma_start3A_27 = tpu.memref_slice %arg4[%multiple_of3A, %dma_start3A_26] : memref<200x128xf32, #tpu.memory_space<hbm>> -> memref<16x128xf32, #tpu.memory_space<hbm>>
          %dma_start3A_28 = arith.constant 0 : i32
          %dma_start3A_29 = tpu.memref_slice %arg4[%multiple_of3A, %dma_start3A_28] : memref<200x128xf32, #tpu.memory_space<hbm>> -> memref<16x128xf32, #tpu.memory_space<hbm>>
          tpu.enqueue_dma source(%arg7 : memref<16x128xf32, #tpu.memory_space<vmem>>) target(%dma_start3A_29 : memref<16x128xf32, #tpu.memory_space<hbm>>) target_semaphore(%run_scoped3A : memref<!tpu.dma_semaphore, #tpu.memory_space<semaphore_mem>>)
          %dma_wait3A_30 = arith.constant 0 : i32
          %dma_wait3A_31 = tpu.memref_slice %arg4[%multiple_of3A, %dma_wait3A_30] : memref<200x128xf32, #tpu.memory_space<hbm>> -> memref<16x128xf32, #tpu.memory_space<hbm>>
          %dma_wait3A_32 = arith.constant 0 : i32
          %dma_wait3A_33 = tpu.memref_slice %arg4[%multiple_of3A, %dma_wait3A_32] : memref<200x128xf32, #tpu.memory_space<hbm>> -> memref<16x128xf32, #tpu.memory_space<hbm>>
          tpu.wait_dma2 semaphore(%run_scoped3A : memref<!tpu.dma_semaphore, #tpu.memory_space<semaphore_mem>>) src(%arg7 : memref<16x128xf32, #tpu.memory_space<vmem>>) dst(%dma_wait3A_33 : memref<16x128xf32, #tpu.memory_space<hbm>>)
          tpu.yield
        }) : () -> ()
      } else {
      }
      %eq3A = arith.constant 12 : i32
      %eq3A_22 = arith.cmpi eq, %arg1, %eq3A : i32
      %convert_element_type3A_23 = arith.extui %eq3A_22 : i1 to i32
      %cond3A_24 = arith.constant 0 : i32
      %cond3A_25 = arith.cmpi ne, %convert_element_type3A_23, %cond3A_24 : i32
      scf.if %cond3A_25 {
        "tpu.region"() ({
          %run_scoped3A = tpu.sem_alloc : memref<!tpu.dma_semaphore, #tpu.memory_space<semaphore_mem>>
          %dma_start3A_26 = arith.constant 0 : i32
          %dma_start3A_27 = arith.constant 0 : i32
          %dma_start3A_28 = tpu.memref_slice %arg7[%dma_start3A_26, %dma_start3A_27] : memref<16x128xf32, #tpu.memory_space<vmem>> -> memref<8x128xf32, #tpu.memory_space<vmem>>
          %dma_start3A_29 = arith.constant 0 : i32
          %dma_start3A_30 = tpu.memref_slice %arg4[%multiple_of3A, %dma_start3A_29] : memref<200x128xf32, #tpu.memory_space<hbm>> -> memref<8x128xf32, #tpu.memory_space<hbm>>
          %dma_start3A_31 = arith.constant 0 : i32
          %dma_start3A_32 = tpu.memref_slice %arg4[%multiple_of3A, %dma_start3A_31] : memref<200x128xf32, #tpu.memory_space<hbm>> -> memref<8x128xf32, #tpu.memory_space<hbm>>
          %dma_start3A_33 = arith.constant 0 : i32
          %dma_start3A_34 = arith.constant 0 : i32
          %dma_start3A_35 = tpu.memref_slice %arg7[%dma_start3A_33, %dma_start3A_34] : memref<16x128xf32, #tpu.memory_space<vmem>> -> memref<8x128xf32, #tpu.memory_space<vmem>>
          tpu.enqueue_dma source(%dma_start3A_35 : memref<8x128xf32, #tpu.memory_space<vmem>>) target(%dma_start3A_32 : memref<8x128xf32, #tpu.memory_space<hbm>>) target_semaphore(%run_scoped3A : memref<!tpu.dma_semaphore, #tpu.memory_space<semaphore_mem>>)
          %dma_wait3A_36 = arith.constant 0 : i32
          %dma_wait3A_37 = arith.constant 0 : i32
          %dma_wait3A_38 = tpu.memref_slice %arg7[%dma_wait3A_36, %dma_wait3A_37] : memref<16x128xf32, #tpu.memory_space<vmem>> -> memref<8x128xf32, #tpu.memory_space<vmem>>
          %dma_wait3A_39 = arith.constant 0 : i32
          %dma_wait3A_40 = tpu.memref_slice %arg4[%multiple_of3A, %dma_wait3A_39] : memref<200x128xf32, #tpu.memory_space<hbm>> -> memref<8x128xf32, #tpu.memory_space<hbm>>
          %dma_wait3A_41 = arith.constant 0 : i32
          %dma_wait3A_42 = tpu.memref_slice %arg4[%multiple_of3A, %dma_wait3A_41] : memref<200x128xf32, #tpu.memory_space<hbm>> -> memref<8x128xf32, #tpu.memory_space<hbm>>
          %dma_wait3A_43 = arith.constant 0 : i32
          %dma_wait3A_44 = arith.constant 0 : i32
          %dma_wait3A_45 = tpu.memref_slice %arg7[%dma_wait3A_43, %dma_wait3A_44] : memref<16x128xf32, #tpu.memory_space<vmem>> -> memref<8x128xf32, #tpu.memory_space<vmem>>
          tpu.wait_dma2 semaphore(%run_scoped3A : memref<!tpu.dma_semaphore, #tpu.memory_space<semaphore_mem>>) src(%dma_wait3A_45 : memref<8x128xf32, #tpu.memory_space<vmem>>) dst(%dma_wait3A_42 : memref<8x128xf32, #tpu.memory_space<hbm>>)
          tpu.yield
        }) : () -> ()
      } else {
      }
    } else {
    }
    return
  }
}

</mosaic_0001>

<sc_bundles>
// kernel: _gather.3.cloned.1.call-start
scs
__scs_entry_jumppad:
0x0: {  	(pc) =	sbr.rel $0x88, $3  }
0x1: {  	(tag) =	ssettag $0x0;
	lr =	simm.s32 $0x1  }
0x2: {  	[smem:$0x3F9F] =	sst lr;
	_ =	strace $0xD0000000  }
0x3: {  	_ = 	snop  }
0x4: {  	_ = 	snop  }
0x5: {  	_ = 	snop  }
0x6: {  	_ = 	snop  }
0x7: {  	_ = 	snop  }
__scs_overlays_trampoline_lowered:
0x8: {  	[smem:$0x3FAE] =	sst s0  }
0x9: {  	[smem:$0x3FAF] =	sst s1  }
0xa: {  	[smem:$0x3FB0] =	sst s2  }
0xb: {  	[smem:$0x3FB1] =	sst s3  }
0xc: {  	[smem:$0x3FB2] =	sst s4  }
0xd: {  	[smem:$0x3FB3] =	sst s5  }
0xe: {  	[smem:$0x3FB4] =	sst s6  }
0xf: {  	[smem:$0x3FB5] =	sst s7  }
0x10: {  	[smem:$0x3FB6] =	sst s8  }
0x11: {  	[smem:$0x3FB7] =	sst s9;
	s0 =	simm.s32 @!p0 $0x0  }
0x12: {  	s1 =	sld [smem:$0x3F9D];
	s0 =	simm.s32 @p0 $0x1  }
0x13: {  	[smem:$0x3FB8] =	sst s0;
	s0 =	simm.s32 @!p1 $0x0  }
0x14: {  	s2 =	sld [smem:$0x3F9C];
	s0 =	simm.s32 @p1 $0x1  }
0x15: {  	[smem:$0x3FB9] =	sst s0;
	s0 =	simm.s32 @!p2 $0x0  }
0x16: {  	s3 =	sld [smem:$0x3FDB];
	s0 =	simm.s32 @p2 $0x1  }
0x17: {  	s4 =	simm.s32 $0x1BF5;
	[smem:$0x3FBB] =	sst s0  }
0x18: {  	s0 =	sld [smem:$0x3F9E];
	_ =	swait.ge [sflag:s4], $0x0  }
0x19: {  	s7 =	sld [smem:$0x3F9F]  }
0x1a: {  	s8 =	sadd.s32 $0xFFFFE003, lr  }
0x1b: {  	s9 =	sadd.s32 $0xFFFFFEF7, lr;
	s5 =	simm.s32 $0xFFFFFFFF;
	p2 =	slt.u32 s8, $0xFFFFF086  }
0x1c: {  	p1 =	slt.u32 s9, $0xF7A;
	s5 =	simm.s32 @!p2 $0x0  }
0x1d: {  	s5 =	simm.s32 @p1 $0x1;
	p0 =	seq.s32 s7, s2  }
0x1e: {  	s7 =	smul.u32 @!p0 $0xF7A, s2;
	p2 =	seq.s32 @!p0 s5, $0x0  }
0x1f: {  	s9 =	smul.u32 $0xF7A, s1;
	s8 =	simm.s32 @!p0 $0x1BF5;
	p2 =	por !p2, p0  }
0x20: {  	[sflag:s8] =	ssyncset.s32 @!p0 $0xFFFFF086;
	s6 =	sadd.s32 @!p0 s3, s7;
	s7 =	simm.s32 @!p0 $0x108  }
0x21: {  	s3 =	sadd.s32 s3, s9;
	s6 =	sadd.s32 @!p0 $0x88, s6;
	s7 =	simm.s32 @p2 $0x1082  }
0x22: {  	[simem:s7], [sflag:s8] =	dma.local @!p0 [hbm:s6], $0xF7A  }
0x23: {  	s9 =	sor.u32 $0xD0000000, s2;
	s6 =	simm.s32 $0x108;
	_ =	swait.ge @!p0 [sflag:s8], $0x0  }
0x24: {  	s3 =	sadd.s32 $0x88, s3;
	s6 =	simm.s32 @!p1 $0x1082;
	[sflag:s4] =	ssyncset.s32 $0xFFFFF086  }
0x25: {  	[simem:s6], [sflag:s4] =	dma.local [hbm:s3], $0xF7A  }
0x26: {  	[smem:$0x3F9F] =	sst s1;
	(tag) =	ssettag s2;
	_ =	strace s9  }
0x27: {  	s1 =	sld [smem:$0x3FAF]  }
0x28: {  	s2 =	sld [smem:$0x3FB0]  }
0x29: {  	s4 =	sld [smem:$0x3FB2]  }
0x2a: {  	p0 =	seq.s32 s5, $0x0;
	s5 =	sld [smem:$0x3FB3]  }
0x2b: {  	s6 =	sld [smem:$0x3FB4]  }
0x2c: {  	s7 =	sld [smem:$0x3FB5]  }
0x2d: {  	s3 =	simm.s32 $0x108;
	s8 =	sld [smem:$0x3FB6]  }
0x2e: {  	s3 =	simm.s32 @!p0 $0x1082;
	s9 =	sld [smem:$0x3FB7]  }
0x2f: {  	lr =	sadd.s32 s0, s3;
	s0 =	sld [smem:$0x3FAE]  }
0x30: {  	s3 =	sld [smem:$0x3FB1]  }
0x31: {  	[smem:$0x3FBA] =	sst s10  }
0x32: {  	s10 =	sld [smem:$0x3FB8];
	_ =	sdelay $0x3  }
0x33: {  	p0 =	seq.s32 s10, $0x1;
	s10 =	sld [smem:$0x3FBA];
	_ =	sdelay $0x3  }
0x34: {  	[smem:$0x3FBA] =	sst s10  }
0x35: {  	s10 =	sld [smem:$0x3FB9];
	_ =	sdelay $0x3  }
0x36: {  	p1 =	seq.s32 s10, $0x1;
	s10 =	sld [smem:$0x3FBA];
	_ =	sdelay $0x3  }
0x37: {  	[smem:$0x3FBA] =	sst s10  }
0x38: {  	s10 =	sld [smem:$0x3FBB]  }
0x39: {  	_ = 	snop;
	(pc) =	sbr.ind lr, $3  }
0x3a: {  	_ = 	snop  }
0x3b: {  	_ = 	snop  }
0x3c: {  	p2 =	seq.s32 s10, $0x1;
	s10 =	sld [smem:$0x3FBA]  }
0x3d: {  	_ =	shalt  }
0x3e: {  	_ =	shalt  }
0x3f: {  	_ =	shalt  }
0x40: {  	_ =	shalt  }
0x41: {  	_ =	shalt  }
0x42: {  	_ =	shalt  }
0x43: {  	_ =	shalt  }
0x44: {  	_ =	shalt  }
0x45: {  	_ =	shalt  }
0x46: {  	_ =	shalt  }
0x47: {  	_ =	shalt  }
0x48: {  	_ =	shalt  }
0x49: {  	_ =	shalt  }
0x4a: {  	_ =	shalt  }
0x4b: {  	_ =	shalt  }
0x4c: {  	_ =	shalt  }
0x4d: {  	_ =	shalt  }
0x4e: {  	_ =	shalt  }
0x4f: {  	_ =	shalt  }
0x50: {  	_ =	shalt  }
0x51: {  	_ =	shalt  }
0x52: {  	_ =	shalt  }
0x53: {  	_ =	shalt  }
0x54: {  	_ =	shalt  }
0x55: {  	_ =	shalt  }
0x56: {  	_ =	shalt  }
0x57: {  	_ =	shalt  }
0x58: {  	_ =	shalt  }
0x59: {  	_ =	shalt  }
0x5a: {  	_ =	shalt  }
0x5b: {  	_ =	shalt  }
0x5c: {  	_ =	shalt  }
0x5d: {  	_ =	shalt  }
0x5e: {  	_ =	shalt  }
0x5f: {  	_ =	shalt  }
0x60: {  	_ =	shalt  }
0x61: {  	_ =	shalt  }
0x62: {  	_ =	shalt  }
0x63: {  	_ =	shalt  }
0x64: {  	_ =	shalt  }
0x65: {  	_ =	shalt  }
0x66: {  	_ =	shalt  }
0x67: {  	_ =	shalt  }
0x68: {  	_ =	shalt  }
0x69: {  	_ =	shalt  }
0x6a: {  	_ =	shalt  }
0x6b: {  	_ =	shalt  }
0x6c: {  	_ =	shalt  }
0x6d: {  	_ =	shalt  }
0x6e: {  	_ =	shalt  }
0x6f: {  	_ =	shalt  }
0x70: {  	_ =	shalt  }
0x71: {  	_ =	shalt  }
0x72: {  	_ =	shalt  }
0x73: {  	_ =	shalt  }
0x74: {  	_ =	shalt  }
0x75: {  	_ =	shalt  }
0x76: {  	_ =	shalt  }
0x77: {  	_ =	shalt  }
0x78: {  	_ =	shalt  }
0x79: {  	_ =	shalt  }
0x7a: {  	_ =	shalt  }
0x7b: {  	_ =	shalt  }
0x7c: {  	_ =	shalt  }
0x7d: {  	_ =	shalt  }
0x7e: {  	_ =	shalt  }
0x7f: {  	_ =	shalt  }
0x80: {  	_ =	shalt  }
0x81: {  	_ =	shalt  }
0x82: {  	_ =	shalt  }
0x83: {  	_ =	shalt  }
0x84: {  	_ =	shalt  }
0x85: {  	_ =	shalt  }
0x86: {  	_ =	shalt  }
0x87: {  	_ =	shalt  }
.Lfunc_end0:
.L_simem_size_0:
called_computation_lowered:
.L_overlay_start_0:
0x88: {  	s0 =	sld [smem:$0x3FD9]  }
0x89: {  	s1 =	sld [smem:$0x3FFE];
	_ =	sdelay $0x3  }
0x8a: {  	s0 =	sadd.s32 s1, s0  }
0x8b: {  	[smem:$0x3FC6] =	sst s0  }
0x8c: {  	_ = 	snop  }
0x8d: {  	s0 =	sld [smem:$0x3FC9]  }
0x8e: {  	s17 =	sld [smem:$0x3FC8]  }
0x8f: {  	s2 =	sld [smem:$0x3FD0];
	(tm) =	ssettm $0x1  }
0x90: {  	s3 =	sld [smem:$0x3FFB];
	_ =	sdelay $0x3  }
0x91: {  	_ =	strace s3  }
0x92: {  	s3 =	sld [smem:$0x3FFC];
	_ =	sdelay $0x3  }
0x93: {  	_ =	strace s3  }
0x94: {  	s3 =	sld [smem:$0x3FFD];
	_ =	sdelay $0x3  }
0x95: {  	_ =	strace s3  }
0x96: {  	_ =	strace $0x8FFFFFFF  }
0x97: {  	s18 =	sld [smem:$0x3FDB];
	_ =	sdelay $0x1  }
0x98: {  	s4 =	simm.s32 $_scs_section_size  }
0x99: {  	s5 =	simm.s32 $_size__tile_overlayer_lowered;
	s6 =	simm.s32 $_tile_overlayer_lowered  }
0x9a: {  	s21 =	simm.s32 $0x1BFF;
	s20 =	sshll.u32 s6, $0x1;
	s3 =	sadd.s32 s4, s18  }
0x9b: {  	s7 =	simm.s32 $0x0;
	s19 =	sshll.u32 s5, $0x1;
	s5 =	sadd.s32 s20, s3  }
0x9c: {  	[timem:s7], [sflag:s21] =	dma.local [hbm:s5], s19  }
0x9d: {  	_ =	swait.ge [sflag:s21], s19  }
0x9e: {  	s4 =	ssub.s32 $0x0, s19;
	[sflag:s21] =	ssyncset.done $0x0  }
0x9f: {  	[sflag:s21] =	ssyncadd.s32 s4;
	_ =	sdelay $0x1  }
0xa0: {  	s22 =	simm.s32 $0x1B8B  }
0xa1: {  	_ =	swait.ge [sflag:s22], $0x1  }
0xa2: {  	[sflag:s22] =	ssyncset.done $0x0  }
0xa3: {  	s23 =	simm.s32 $0x1B8E;
	[sflag:s22] =	ssyncadd.s32 $0xFFFFFFFF  }
0xa4: {  	s24 =	simm.s32 $execute0_lowered;
	[smem:$0x3FD2] =	sst s23  }
0xa5: {  	s4 =	sshll.u32 s24, $0x1;
	_ =	strace $0x80000046;
	[dreg:$0x1] =	wrdreg $0xFFFFFFFF  }
0xa6: {  	s25 =	simm.s32 $_size_execute0_lowered;
	s3 =	sadd.s32 s3, s4;
	[dreg:$0x0] =	wrdreg $0x0  }
0xa7: {  	s4 =	sshll.u32 s25, $0x1;
	[dreg:$0x2] =	wrdreg s3  }
0xa8: {  	[dreg:$0x3] =	wrdreg s4  }
0xa9: {  	[dreg:$0x4] =	wrdreg $0xC0  }
0xaa: {  	_ =	task [dreg:s7], $0x5FFFF  }
0xab: {  	[dreg:$0x1] =	wrdreg $0xFFFFFFFF  }
0xac: {  	[dreg:$0x0] =	wrdreg $0x60  }
0xad: {  	[dreg:$0x2] =	wrdreg s0  }
0xae: {  	[dreg:$0x3] =	wrdreg s17  }
0xaf: {  	[dreg:$0x4] =	wrdreg s2  }
0xb0: {  	[dreg:$0x5] =	wrdreg $0x9  }
0xb1: {  	_ =	task.clear_ibuf [dreg:s7], $0x6FFFF;
	_ =	strace $0x90000046  }
0xb2: {  	s26 =	simm.s32 $0x9;
	_ =	strace $0x80000048  }
0xb3: {  	_ =	swait.ge [sflag:s26], $0x1  }
0xb4: {  	[sflag:s26] =	ssyncadd.s32 $0xFFFFFFFF  }
0xb5: {  	_ =	strace $0x90000048  }
0xb6: {  	_ =	sfence  }
0xb7: {  	s28 =	sld [smem:$0x0];
	_ =	sdelay $0x1  }
0xb8: {  	s29 =	srdreg.scid  }
0xb9: {  	s30 =	sshll.u32 s29, $0xD;
	s31 =	sshrl.u32 s29, $0x2  }
0xba: {  	s1 =	sand.u32 $0x1, s29;
	s2 =	sand.u32 $0x4000, s30;
	s0 =	sadd.s32 s31, s28  }
0xbb: {  	s1 =	sor.u32 s2, s1;
	s0 =	sshll.u32 s0, $0x11  }
0xbc: {  	s0 =	sor.u32 s0, s1  }
0xbd: {  	s0 =	sadd.s32 $0x8F2B, s0  }
0xbe: {  	[sflag:s0] =	ssyncadd.remote.s32 $0x1  }
0xbf: {  	_ =	sfence.sel $0xFFFF  }
0xc0: {  	[dreg:$0x0] =	wrdreg $0xFFFFFFFF;
	(pc) =	sbr.abs _section_cstart, $3  }
0xc1: {  	[dreg:$0x1] =	wrdreg $0xFFFFFFFF  }
0xc2: {  	_ =	task.clear_ibuf [dreg:s7], $0x2FFFF;
	_ =	strace $0x9FFFFFFF  }
0xc3: {  	(tm) =	ssettm $0x7FFFFFFF  }
tec
execute0_lowered:
.L_overlay_start_1:
0x0: {  	(tag) =	ssettag $0x1  }
0x1: {  	s0 =	rddreg [dreg:$0x0]  }
0x2: {  	s1 =	rddreg [dreg:$0x1]  }
0x3: {  	s2 =	rddreg [dreg:$0x2];
	s4 =	simm.s32 $0x0;
	s5 =	stileid.u32  }
0x4: {  	[smem:$0x7FF] =	sst s4;
	p0 =	sgt.u32 s5, $0xC  }
0x5: {  	s3 =	rddreg [dreg:$0x3];
	_ =	strace $0x80000047;
	s4 =	simm.s32 @!p0 $0x0  }
0x6: {  	[tilespmem:s4], [sflag:$0x2] =	stream.linear.gather @!p0 [hbm4b:s0+s4], $0x80, $0x38;
	[tilespmem:$0x900] =	vst v63  }
0x7: {  	s0 =	simm.s32 @!p0 $0x2  }
0x8: {  	_ =	swait.ge @!p0 [sflag:s0], $0x80  }
0x9: {  	[sflag:s0] =	ssyncset.done @!p0 $0x0  }
0xa: {  	[sflag:s0] =	ssyncadd.s32 @!p0 $0xFFFFFF80  }
0xb: {  	v0 =	vld @!p0 [tilespmem:$0x0];
	_ =	sdelay $0x3  }
0xc: {  	v1 =	vlaneseq.u32 @!p0;
	s0 =	sshll.u32 @!p0 s5, $0x4  }
0xd: {  	v1 =	vor.u32 @!p0 s0, v1;
	v0 =	vadd.s32 @!p0 $0xFFFFFFFF, v0  }
0xe: {  	vm0 =	vlt.s32 @!p0 v1, v0  }
0xf: {  	v0 =	vsel @!p0 vm0, v1, v0  }
0x10: {  	vm0 =	vlt.s32 @!p0 v0, $0xC7  }
0x11: {  	v0 =	vnsel @!p0 vm0, $0xC7, v0  }
0x12: {  	s6 =	simm.s32 @!p0 $0x100;
	s4 =	simm.s32 @!p0 $0x80;
	s0 =	simm.s32 @!p0 $0x10;
	[tilespmem:$0x80] =	vst @!p0 v0  }
0x13: {  	[tilespmem:s6], [sflag:$0x1] =	stream.indirect.gather @!p0 [hbm4b:s1+s0], $0x80, s4, s0, $0xb8;
	[tilespmem:$0x900] =	vst v63  }
0x14: {  	p1 =	seq.s32 @!p0 s5, $0xC;
	s0 =	simm.s32 @!p0 $0x1  }
0x15: {  	p2 =	por !p1, p0;
	_ =	swait.ge @!p0 [sflag:s0], $0x800  }
0x16: {  	s1 =	simm.s32 @!p2 $0x0;
	[sflag:s0] =	ssyncset.done @!p0 $0x0  }
0x17: {  	s4 =	simm.s32 @!p2 $0x100;
	[sflag:s0] =	ssyncadd.s32 @!p0 $0xFFFFF800;
	s0 =	sadd.s32 @!p2 $0xC00, s2  }
0x18: {  	[hbm4b:s0+s1] =	stream.linear.scatter @!p2 [tilespmem:s4], [sflag:$0x2], $0x400, $0x38;
	[tilespmem:$0x900] =	vst v63  }
0x19: {  	s0 =	simm.s32 @!p2 $0x2  }
0x1a: {  	_ =	swait.ge @!p2 [sflag:s0], $0x400  }
0x1b: {  	p0 =	por p1, p0;
	[sflag:s0] =	ssyncset.done @!p2 $0x0  }
0x1c: {  	[sflag:s0] =	ssyncadd.s32 @!p2 $0xFFFFFC00;
	s0 =	sshll.u32 @!p0 s5, $0x8  }
0x1d: {  	s1 =	simm.s32 @!p0 $0x0;
	s0 =	sadd.s32 @!p0 s2, s0;
	s2 =	simm.s32 @!p0 $0x100  }
0x1e: {  	[hbm4b:s0+s1] =	stream.linear.scatter @!p0 [tilespmem:s2], [sflag:$0x2], $0x800, $0x38;
	[tilespmem:$0x900] =	vst v63  }
0x1f: {  	s0 =	simm.s32 @!p0 $0x2  }
0x20: {  	_ =	swait.ge @!p0 [sflag:s0], $0x800  }
0x21: {  	[sflag:s0] =	ssyncset.done @!p0 $0x0  }
0x22: {  	[sflag:s0] =	ssyncadd.s32 @!p0 $0xFFFFF800  }
0x23: {  	_ =	sfence.sel $0x180000  }
0x24: {  	[bflag:$0x0] =	sbarrier.arrive $0xFFFF  }
0x25: {  	p0 =	sne.s32 s5, $0x0;
	_ =	strace $0x90000047  }
0x26: {  	s0 =	sadd.s32 @!p0 $0x100000, s3;
	[bflag:$0x2] =	sbarrier.arrive $0xFFFF  }
0x27: {  	[sflag:s0] =	ssyncadd.tile.s32 @!p0 $0x1;
	_ =	shalt  }
.Lfunc_end2:
_tile_overlayer_lowered:
.L_overlay_start_2:
0x28: {  	(tag) =	ssettag $0x2  }
0x29: {  	s0 =	rddreg [dreg:$0x0];
	s2 =	stileid.u32  }
0x2a: {  	s1 =	rddreg [dreg:$0x1];
	p0 =	sne.s32 s2, $0x0  }
0x2b: {  	s3 =	rddreg [dreg:$0x2];
	[bflag:$0x3] =	sbarrier.arrive $0xFFFF;
	s2 =	simm.s32 @!p0 $0x1C02  }
0x2c: {  	[timem:s3], [sflag:s2] =	dma.local @!p0 [hbm:s0], s1  }
0x2d: {  	s0 =	simm.s32 @!p0 $0x2  }
0x2e: {  	_ =	swait.ge @!p0 [sflag:s0], s1  }
0x2f: {  	s1 =	ssub.s32 @!p0 $0x0, s1;
	[sflag:s0] =	ssyncset.done @!p0 $0x0  }
0x30: {  	[sflag:s0] =	ssyncadd.s32 @!p0 s1  }
0x31: {  	[bflag:$0x3] =	sbarrier.arrive $0xFFFF  }
0x32: {  	_ =	shalt  }

</sc_bundles>
